<compile_context>
chip_gen: v7x
topology: tpu7x:2x2x1
jax: 0.10.2.dev20260603
libtpu: 0.0.44.dev20260713+nightly
codegen_flags: <defaults>
</compile_context>

<pallas_src>
import functools

import jax
import jax.numpy as jnp
from jax import lax
from jax.experimental import pallas as pl
from jax.experimental.pallas import tpu as pltpu
from jax.experimental.pallas import tpu_sc as plsc

_KAPPA_MAX = 0.7
_N0 = 10.0

_BN = 512


def _sc_gather(patch_ids, theta, n_eff):
    N = patch_ids.shape[0]
    info = plsc.get_sparse_core_info()
    NC, NS = info.num_cores, info.num_subcores
    NW = NC * NS
    bpw = N // NW
    mesh = plsc.VectorSubcoreMesh(core_axis_name="c", subcore_axis_name="s")

    @functools.partial(
        pl.kernel,
        mesh=mesh,
        out_type=[
            jax.ShapeDtypeStruct((N,), jnp.float32),
            jax.ShapeDtypeStruct((N,), jnp.float32),
        ],
        scratch_types=[
            pltpu.VMEM((bpw,), jnp.int32),
            pltpu.VMEM((bpw,), jnp.float32),
            pltpu.VMEM((bpw,), jnp.float32),
            pltpu.SemaphoreType.DMA,
            pltpu.SemaphoreType.DMA,
        ],
    )
    def gk(idx_hbm, theta_hbm, neff_hbm, th_out, ne_out, idx_v, th_v, ne_v, s1, s2):
        wid = lax.axis_index("s") * NC + lax.axis_index("c")
        base = wid * bpw
        pltpu.sync_copy(idx_hbm.at[pl.ds(base, bpw)], idx_v)
        c1 = pltpu.async_copy(theta_hbm.at[idx_v], th_v, s1)
        c2 = pltpu.async_copy(neff_hbm.at[idx_v], ne_v, s2)
        c1.wait()
        c2.wait()
        pltpu.sync_copy(th_v, th_out.at[pl.ds(base, bpw)])
        pltpu.sync_copy(ne_v, ne_out.at[pl.ds(base, bpw)])

    return gk(patch_ids, theta, n_eff)


def _mv_body(h_ref, w_ref, b_ref, raw_ref):
    w = w_ref[...]
    h = h_ref[...]
    raw_ref[...] = jnp.sum(h * w[None], axis=-1) + b_ref[0, 0]


def _comb_body(raw_ref, th_ref, ne_ref, lt_ref, probs_ref, ls_ref):
    raw = raw_ref[...]
    th = th_ref[...]
    ne = ne_ref[...]
    bl = jnp.log(th) - jnp.log(1.0 - th)
    kap = jnp.clip(_KAPPA_MAX * (_N0 / (ne + _N0)), 0.0, _KAPPA_MAX)
    ls = (1.0 - kap) * raw + kap * bl
    t = jnp.log(1.0 + jnp.exp(lt_ref[0, 0])) + 1e-4
    probs_ref[...] = 1.0 / (1.0 + jnp.exp(-ls / t))
    ls_ref[...] = ls


def kernel(H_t, patch_ids, theta, n_eff, W, b, log_temperature):
    S, N, D = H_t.shape
    pid = patch_ids.astype(jnp.int32)
    th_n, ne_n = _sc_gather(pid, theta, n_eff)

    BN = _BN
    raw = pl.pallas_call(
        _mv_body,
        grid=(N // BN,),
        in_specs=[
            pl.BlockSpec((S, BN, D), lambda i: (0, i, 0)),
            pl.BlockSpec((1, D), lambda i: (0, 0)),
            pl.BlockSpec(memory_space=pltpu.SMEM),
        ],
        out_specs=pl.BlockSpec((S, BN), lambda i: (0, i)),
        out_shape=jax.ShapeDtypeStruct((S, N), jnp.float32),
        compiler_params=pltpu.CompilerParams(
            dimension_semantics=("arbitrary",),
        ),
    )(H_t, W, b.reshape(1, 1))

    probs, ls = pl.pallas_call(
        _comb_body,
        in_specs=[
            pl.BlockSpec((S, N), lambda: (0, 0)),
            pl.BlockSpec((1, N), lambda: (0, 0)),
            pl.BlockSpec((1, N), lambda: (0, 0)),
            pl.BlockSpec(memory_space=pltpu.SMEM),
        ],
        out_specs=[
            pl.BlockSpec((S, N), lambda: (0, 0)),
            pl.BlockSpec((S, N), lambda: (0, 0)),
        ],
        out_shape=[
            jax.ShapeDtypeStruct((S, N), jnp.float32),
            jax.ShapeDtypeStruct((S, N), jnp.float32),
        ],
    )(raw, th_n.reshape(1, N), ne_n.reshape(1, N),
      log_temperature.astype(jnp.float32).reshape(1, 1))
    return probs, ls

# --- scband reference (transcript-rebuilt; emitter-appended) ---
"""Pipeline reference for scband-probabilistic-head-14937896255981 (READ-ONLY COPY).

The authoritative reference and input builder live on the scoring server;
editing this copy changes nothing except your own understanding.
"""

import jax, jax.numpy as jnp
import numpy as np


def setup_inputs(seed: int = 0) -> dict:
    key = jax.random.key(seed)
    kH, kp, kt, kn, kw, kb = jax.random.split(key, 6)
    S, N, D = 4, 2048, 1024
    P = 100000
    H_t = jax.random.normal(kH, (S, N, D), dtype=jnp.float32)
    patch_ids = jax.random.randint(kp, (N,), 0, P, dtype=jnp.int64)
    # baseline rates in (0,1), effective counts positive (the PatchBetaPosterior state)
    theta = jax.random.uniform(kt, (P,), dtype=jnp.float32, minval=0.01, maxval=0.99)
    n_eff = jax.random.uniform(kn, (P,), dtype=jnp.float32, minval=0.0, maxval=100.0)
    # learned parameters of the head
    W = jax.random.normal(kw, (1, D), dtype=jnp.float32) * (1.0 / np.sqrt(D))
    b = jax.random.normal(kb, (1,), dtype=jnp.float32) * 0.01
    log_temperature = jnp.asarray(0.0, dtype=jnp.float32)
    return {"H_t": H_t, "patch_ids": patch_ids, "theta": theta, "n_eff": n_eff,
            "W": W, "b": b, "log_temperature": log_temperature}


def reference(H_t, patch_ids, theta, n_eff, W, b, log_temperature):
    kappa_max = 0.7
    n0 = 10.0
    # raw logits: Linear(D, 1) then squeeze(-1) -> [S, N]
    raw_logits = (jnp.einsum('snd,od->sno', H_t, W) + b).squeeze(-1)
    # baseline logits from Beta posterior rates
    baseline_logits = jnp.log(theta) - jnp.log(1.0 - theta)
    kappa = kappa_max * (n0 / (n_eff + n0))
    kappa = jnp.clip(kappa, 0.0, kappa_max)
    patch_ids_long = patch_ids.astype(jnp.int64)
    baseline_logits_nodes = jnp.take(baseline_logits, patch_ids_long, axis=0)
    kappa_nodes = jnp.take(kappa, patch_ids_long, axis=0)
    logits_shrunk = (1.0 - kappa_nodes) * raw_logits + kappa_nodes * baseline_logits_nodes
    temperature = jax.nn.softplus(log_temperature) + 0.0001
    probs = jax.nn.sigmoid(logits_shrunk / temperature)
    return (probs, logits_shrunk)

if __name__ == "__main__":
    import jax
    _d = setup_inputs()
    print(jax.jit(kernel)(*tuple(_d.values())))

</pallas_src>

<mosaic_0001>
#map = affine_map<(d0, d1) -> (0)>
module attributes {stable_mosaic.version = 14 : i64} {
  func.func @gk(%arg0: i32, %arg1: i32, %arg2: memref<2048xi32, #tpu.memory_space<hbm>>, %arg3: memref<100000xf32, #tpu.memory_space<hbm>>, %arg4: memref<100000xf32, #tpu.memory_space<hbm>>, %arg5: memref<2048xf32, #tpu.memory_space<hbm>>, %arg6: memref<2048xf32, #tpu.memory_space<hbm>>, %arg7: memref<64xi32, #tpu.memory_space<vmem>>, %arg8: memref<64xf32, #tpu.memory_space<vmem>>, %arg9: memref<64xf32, #tpu.memory_space<vmem>>, %arg10: memref<!tpu.dma_semaphore, #tpu.memory_space<semaphore_mem>>, %arg11: memref<!tpu.dma_semaphore, #tpu.memory_space<semaphore_mem>>) attributes {dimension_semantics = [#tpu.dimension_semantics<core_parallel>, #tpu.dimension_semantics<subcore_parallel>], iteration_bounds = array<i64: 2, 16>, scalar_prefetch = 0 : i64, scratch_operands = 5 : i64, tpu.core_type = #tpu.core_type<sc_vector_subcore>, window_params = [{transform_indices = #map}, {transform_indices = #map}, {transform_indices = #map}, {transform_indices = #map}, {transform_indices = #map}]} {
    %mul3A = arith.constant 2 : i32
    %mul3A_0 = arith.muli %arg1, %mul3A : i32
    %add3A = arith.addi %mul3A_0, %arg0 : i32
    %mul3A_1 = arith.constant 64 : i32
    %mul3A_2 = arith.muli %add3A, %mul3A_1 : i32
    "tpu.region"() ({
      %run_scoped3A = tpu.sem_alloc : memref<!tpu.dma_semaphore, #tpu.memory_space<semaphore_mem>>
      %dma_start3A_9 = tpu.memref_slice %arg2[%mul3A_2] : memref<2048xi32, #tpu.memory_space<hbm>> -> memref<64xi32, #tpu.memory_space<hbm>>
      %dma_start3A_10 = tpu.memref_slice %arg2[%mul3A_2] : memref<2048xi32, #tpu.memory_space<hbm>> -> memref<64xi32, #tpu.memory_space<hbm>>
      tpu.enqueue_dma source(%dma_start3A_10 : memref<64xi32, #tpu.memory_space<hbm>>) target(%arg7 : memref<64xi32, #tpu.memory_space<vmem>>) target_semaphore(%run_scoped3A : memref<!tpu.dma_semaphore, #tpu.memory_space<semaphore_mem>>)
      %dma_wait3A_11 = tpu.memref_slice %arg2[%mul3A_2] : memref<2048xi32, #tpu.memory_space<hbm>> -> memref<64xi32, #tpu.memory_space<hbm>>
      %dma_wait3A_12 = tpu.memref_slice %arg2[%mul3A_2] : memref<2048xi32, #tpu.memory_space<hbm>> -> memref<64xi32, #tpu.memory_space<hbm>>
      tpu.wait_dma2 semaphore(%run_scoped3A : memref<!tpu.dma_semaphore, #tpu.memory_space<semaphore_mem>>) src(%dma_wait3A_12 : memref<64xi32, #tpu.memory_space<hbm>>) dst(%arg7 : memref<64xi32, #tpu.memory_space<vmem>>)
      tpu.yield
    }) : () -> ()
    %dma_start3A = arith.constant 0 : i32
    %dma_start3A_3 = tpu.memref_slice %arg3[%dma_start3A] : memref<100000xf32, #tpu.memory_space<hbm>> -> memref<100000xf32, #tpu.memory_space<hbm>>
    tpu.enqueue_indirect_dma source(%dma_start3A_3 : memref<100000xf32, #tpu.memory_space<hbm>>) target(%arg8 : memref<64xf32, #tpu.memory_space<vmem>>) offsets(%arg7 : memref<64xi32, #tpu.memory_space<vmem>>) semaphore(%arg10 : memref<!tpu.dma_semaphore, #tpu.memory_space<semaphore_mem>>)
    %dma_start3A_4 = arith.constant 0 : i32
    %dma_start3A_5 = tpu.memref_slice %arg4[%dma_start3A_4] : memref<100000xf32, #tpu.memory_space<hbm>> -> memref<100000xf32, #tpu.memory_space<hbm>>
    tpu.enqueue_indirect_dma source(%dma_start3A_5 : memref<100000xf32, #tpu.memory_space<hbm>>) target(%arg9 : memref<64xf32, #tpu.memory_space<vmem>>) offsets(%arg7 : memref<64xi32, #tpu.memory_space<vmem>>) semaphore(%arg11 : memref<!tpu.dma_semaphore, #tpu.memory_space<semaphore_mem>>)
    %dma_wait3A = arith.constant 0 : i32
    %dma_wait3A_6 = tpu.memref_slice %arg3[%dma_wait3A] : memref<100000xf32, #tpu.memory_space<hbm>> -> memref<100000xf32, #tpu.memory_space<hbm>>
    tpu.wait_indirect_dma semaphore(%arg10 : memref<!tpu.dma_semaphore, #tpu.memory_space<semaphore_mem>>) src(%dma_wait3A_6 : memref<100000xf32, #tpu.memory_space<hbm>>) dst(%arg8 : memref<64xf32, #tpu.memory_space<vmem>>)
    %dma_wait3A_7 = arith.constant 0 : i32
    %dma_wait3A_8 = tpu.memref_slice %arg4[%dma_wait3A_7] : memref<100000xf32, #tpu.memory_space<hbm>> -> memref<100000xf32, #tpu.memory_space<hbm>>
    tpu.wait_indirect_dma semaphore(%arg11 : memref<!tpu.dma_semaphore, #tpu.memory_space<semaphore_mem>>) src(%dma_wait3A_8 : memref<100000xf32, #tpu.memory_space<hbm>>) dst(%arg9 : memref<64xf32, #tpu.memory_space<vmem>>)
    "tpu.region"() ({
      %run_scoped3A = tpu.sem_alloc : memref<!tpu.dma_semaphore, #tpu.memory_space<semaphore_mem>>
      %dma_start3A_9 = tpu.memref_slice %arg5[%mul3A_2] : memref<2048xf32, #tpu.memory_space<hbm>> -> memref<64xf32, #tpu.memory_space<hbm>>
      %dma_start3A_10 = tpu.memref_slice %arg5[%mul3A_2] : memref<2048xf32, #tpu.memory_space<hbm>> -> memref<64xf32, #tpu.memory_space<hbm>>
      tpu.enqueue_dma source(%arg8 : memref<64xf32, #tpu.memory_space<vmem>>) target(%dma_start3A_10 : memref<64xf32, #tpu.memory_space<hbm>>) target_semaphore(%run_scoped3A : memref<!tpu.dma_semaphore, #tpu.memory_space<semaphore_mem>>)
      %dma_wait3A_11 = tpu.memref_slice %arg5[%mul3A_2] : memref<2048xf32, #tpu.memory_space<hbm>> -> memref<64xf32, #tpu.memory_space<hbm>>
      %dma_wait3A_12 = tpu.memref_slice %arg5[%mul3A_2] : memref<2048xf32, #tpu.memory_space<hbm>> -> memref<64xf32, #tpu.memory_space<hbm>>
      tpu.wait_dma2 semaphore(%run_scoped3A : memref<!tpu.dma_semaphore, #tpu.memory_space<semaphore_mem>>) src(%arg8 : memref<64xf32, #tpu.memory_space<vmem>>) dst(%dma_wait3A_12 : memref<64xf32, #tpu.memory_space<hbm>>)
      tpu.yield
    }) : () -> ()
    "tpu.region"() ({
      %run_scoped3A = tpu.sem_alloc : memref<!tpu.dma_semaphore, #tpu.memory_space<semaphore_mem>>
      %dma_start3A_9 = tpu.memref_slice %arg6[%mul3A_2] : memref<2048xf32, #tpu.memory_space<hbm>> -> memref<64xf32, #tpu.memory_space<hbm>>
      %dma_start3A_10 = tpu.memref_slice %arg6[%mul3A_2] : memref<2048xf32, #tpu.memory_space<hbm>> -> memref<64xf32, #tpu.memory_space<hbm>>
      tpu.enqueue_dma source(%arg9 : memref<64xf32, #tpu.memory_space<vmem>>) target(%dma_start3A_10 : memref<64xf32, #tpu.memory_space<hbm>>) target_semaphore(%run_scoped3A : memref<!tpu.dma_semaphore, #tpu.memory_space<semaphore_mem>>)
      %dma_wait3A_11 = tpu.memref_slice %arg6[%mul3A_2] : memref<2048xf32, #tpu.memory_space<hbm>> -> memref<64xf32, #tpu.memory_space<hbm>>
      %dma_wait3A_12 = tpu.memref_slice %arg6[%mul3A_2] : memref<2048xf32, #tpu.memory_space<hbm>> -> memref<64xf32, #tpu.memory_space<hbm>>
      tpu.wait_dma2 semaphore(%run_scoped3A : memref<!tpu.dma_semaphore, #tpu.memory_space<semaphore_mem>>) src(%arg9 : memref<64xf32, #tpu.memory_space<vmem>>) dst(%dma_wait3A_12 : memref<64xf32, #tpu.memory_space<hbm>>)
      tpu.yield
    }) : () -> ()
    return
  }
}

module attributes {stable_mosaic.version = 14 : i64} {
  func.func @_comb_body(%arg0: memref<4x2048xf32, #tpu.memory_space<vmem>>, %arg1: memref<1x2048xf32, #tpu.memory_space<vmem>>, %arg2: memref<1x2048xf32, #tpu.memory_space<vmem>>, %arg3: memref<1x1xf32, #tpu.memory_space<smem>>, %arg4: memref<4x2048xf32, #tpu.memory_space<vmem>>, %arg5: memref<4x2048xf32, #tpu.memory_space<vmem>>) attributes {dimension_semantics = [], scalar_prefetch = 0 : i64, scratch_operands = 0 : i64, tpu.core_type = #tpu.core_type<tc>} {
    %get3A = arith.constant 0 : index
    %get3A_0 = arith.constant 0 : index
    %get3A_1 = vector.load %arg0[%get3A, %get3A_0] : memref<4x2048xf32, #tpu.memory_space<vmem>>, vector<4x2048xf32>
    %get3A_2 = arith.constant 0 : index
    %get3A_3 = arith.constant 0 : index
    %get3A_4 = vector.load %arg1[%get3A_2, %get3A_3] : memref<1x2048xf32, #tpu.memory_space<vmem>>, vector<1x2048xf32>
    %get3A_5 = arith.constant 0 : index
    %get3A_6 = arith.constant 0 : index
    %get3A_7 = vector.load %arg2[%get3A_5, %get3A_6] : memref<1x2048xf32, #tpu.memory_space<vmem>>, vector<1x2048xf32>
    %log3A = math.log %get3A_4 : vector<1x2048xf32>
    %sub3A = arith.constant 1.000000e+00 : f32
    %sub3A_8 = vector.broadcast %sub3A : f32 to vector<1x2048xf32>
    %sub3A_9 = arith.subf %sub3A_8, %get3A_4 : vector<1x2048xf32>
    %log3A_10 = math.log %sub3A_9 : vector<1x2048xf32>
    %sub3A_11 = arith.subf %log3A, %log3A_10 : vector<1x2048xf32>
    %add3A = arith.constant 1.000000e+01 : f32
    %add3A_12 = vector.broadcast %add3A : f32 to vector<1x2048xf32>
    %add3A_13 = arith.addf %get3A_7, %add3A_12 : vector<1x2048xf32>
    %div3A = arith.constant 1.000000e+01 : f32
    %div3A_14 = vector.broadcast %div3A : f32 to vector<1x2048xf32>
    %div3A_15 = arith.divf %div3A_14, %add3A_13 : vector<1x2048xf32>
    %mul3A = arith.constant 0.699999988 : f32
    %mul3A_16 = vector.broadcast %mul3A : f32 to vector<1x2048xf32>
    %mul3A_17 = arith.mulf %mul3A_16, %div3A_15 : vector<1x2048xf32>
    %jit3A = arith.constant 0.000000e+00 : f32
    %jit3A_18 = arith.constant 0.699999988 : f32
    %max3A = vector.broadcast %jit3A : f32 to vector<1x2048xf32>
    %max3A_19 = arith.maximumf %max3A, %mul3A_17 : vector<1x2048xf32>
    %min3A = vector.broadcast %jit3A_18 : f32 to vector<1x2048xf32>
    %min3A_20 = arith.minimumf %min3A, %max3A_19 : vector<1x2048xf32>
    %sub3A_21 = arith.constant 1.000000e+00 : f32
    %sub3A_22 = vector.broadcast %sub3A_21 : f32 to vector<1x2048xf32>
    %sub3A_23 = arith.subf %sub3A_22, %min3A_20 : vector<1x2048xf32>
    %mul3A_24 = vector.broadcast %sub3A_23 : vector<1x2048xf32> to vector<4x2048xf32>
    %mul3A_25 = arith.mulf %mul3A_24, %get3A_1 : vector<4x2048xf32>
    %mul3A_26 = arith.mulf %min3A_20, %sub3A_11 : vector<1x2048xf32>
    %add3A_27 = vector.broadcast %mul3A_26 : vector<1x2048xf32> to vector<4x2048xf32>
    %add3A_28 = arith.addf %mul3A_25, %add3A_27 : vector<4x2048xf32>
    %get3A_29 = arith.constant 0 : index
    %get3A_30 = arith.constant 0 : index
    %get3A_31 = memref.load %arg3[%get3A_29, %get3A_30] : memref<1x1xf32, #tpu.memory_space<smem>>
    %exp3A = math.exp %get3A_31 : f32
    %add3A_32 = arith.constant 1.000000e+00 : f32
    %add3A_33 = arith.addf %add3A_32, %exp3A : f32
    %log3A_34 = math.log %add3A_33 : f32
    %add3A_35 = arith.constant 9.99999974E-5 : f32
    %add3A_36 = arith.addf %log3A_34, %add3A_35 : f32
    %neg3A = arith.constant 0.000000e+00 : f32
    %neg3A_37 = vector.broadcast %neg3A : f32 to vector<4x2048xf32>
    %neg3A_38 = arith.subf %neg3A_37, %add3A_28 : vector<4x2048xf32>
    %div3A_39 = vector.broadcast %add3A_36 : f32 to vector<4x2048xf32>
    %div3A_40 = arith.divf %neg3A_38, %div3A_39 : vector<4x2048xf32>
    %exp3A_41 = math.exp %div3A_40 : vector<4x2048xf32>
    %add3A_42 = arith.constant 1.000000e+00 : f32
    %add3A_43 = vector.broadcast %add3A_42 : f32 to vector<4x2048xf32>
    %add3A_44 = arith.addf %add3A_43, %exp3A_41 : vector<4x2048xf32>
    %div3A_45 = arith.constant 1.000000e+00 : f32
    %div3A_46 = vector.broadcast %div3A_45 : f32 to vector<4x2048xf32>
    %div3A_47 = arith.divf %div3A_46, %add3A_44 : vector<4x2048xf32>
    %swap3A = arith.constant 0 : index
    %swap3A_48 = arith.constant 0 : index
    %swap3A_49 = vector.load %arg4[%swap3A, %swap3A_48] : memref<4x2048xf32, #tpu.memory_space<vmem>>, vector<4x2048xf32>
    tpu.vector_store %arg4[%swap3A, %swap3A_48], %div3A_47 {strides = array<i32>} : memref<4x2048xf32, #tpu.memory_space<vmem>>, vector<4x2048xf32>,
    %swap3A_50 = arith.constant 0 : index
    %swap3A_51 = arith.constant 0 : index
    %swap3A_52 = vector.load %arg5[%swap3A_50, %swap3A_51] : memref<4x2048xf32, #tpu.memory_space<vmem>>, vector<4x2048xf32>
    tpu.vector_store %arg5[%swap3A_50, %swap3A_51], %add3A_28 {strides = array<i32>} : memref<4x2048xf32, #tpu.memory_space<vmem>>, vector<4x2048xf32>,
    return
  }
}

module attributes {stable_mosaic.version = 14 : i64} {
  func.func @_mv_body(%arg0: i32, %arg1: memref<4x512x1024xf32, #tpu.memory_space<vmem>>, %arg2: memref<1x1024xf32, #tpu.memory_space<vmem>>, %arg3: memref<1x1xf32, #tpu.memory_space<smem>>, %arg4: memref<4x512xf32, #tpu.memory_space<vmem>>) attributes {dimension_semantics = [#tpu.dimension_semantics<arbitrary>], iteration_bounds = array<i64: 4>, scalar_prefetch = 0 : i64, scratch_operands = 0 : i64, tpu.core_type = #tpu.core_type<tc>, window_params = [{transform_indices = @transform_0, window_bounds = array<i64: 4, 512, 1024>}, {pipeline_mode = #tpu.pipeline_mode<synchronous>, transform_indices = @transform_1, window_bounds = array<i64: 1, 1024>}, {transform_indices = @transform_2, window_bounds = array<i64: 1, 1>}, {transform_indices = @transform_3, window_bounds = array<i64: 4, 512>}]} {
    %get3A = arith.constant 0 : index
    %get3A_0 = arith.constant 0 : index
    %get3A_1 = vector.load %arg2[%get3A, %get3A_0] : memref<1x1024xf32, #tpu.memory_space<vmem>>, vector<1x1024xf32>
    %get3A_2 = arith.constant 0 : index
    %get3A_3 = arith.constant 0 : index
    %get3A_4 = arith.constant 0 : index
    %get3A_5 = vector.load %arg1[%get3A_2, %get3A_3, %get3A_4] : memref<4x512x1024xf32, #tpu.memory_space<vmem>>, vector<4x512x1024xf32>
    %broadcast_in_dim3A = vector.shape_cast %get3A_1 : vector<1x1024xf32> to vector<1x1x1024xf32>
    %mul3A = vector.broadcast %broadcast_in_dim3A : vector<1x1x1024xf32> to vector<4x512x1024xf32>
    %mul3A_6 = arith.mulf %get3A_5, %mul3A : vector<4x512x1024xf32>
    %reduce_sum3A = arith.constant dense<0.000000e+00> : vector<4x512xf32>
    %reduce_sum3A_7 = vector.multi_reduction <add>, %mul3A_6, %reduce_sum3A [2] : vector<4x512x1024xf32> to vector<4x512xf32>
    %get3A_8 = arith.constant 0 : index
    %get3A_9 = arith.constant 0 : index
    %get3A_10 = memref.load %arg3[%get3A_8, %get3A_9] : memref<1x1xf32, #tpu.memory_space<smem>>
    %add3A = vector.broadcast %get3A_10 : f32 to vector<4x512xf32>
    %add3A_11 = arith.addf %reduce_sum3A_7, %add3A : vector<4x512xf32>
    %swap3A = arith.constant 0 : index
    %swap3A_12 = arith.constant 0 : index
    %swap3A_13 = vector.load %arg4[%swap3A, %swap3A_12] : memref<4x512xf32, #tpu.memory_space<vmem>>, vector<4x512xf32>
    tpu.vector_store %arg4[%swap3A, %swap3A_12], %add3A_11 {strides = array<i32>} : memref<4x512xf32, #tpu.memory_space<vmem>>, vector<4x512xf32>,
    return
  }
  func.func @transform_0(%arg0: i32) -> (i32, i32, i32) {
    %c0_i32 = arith.constant 0 : i32
    %c0_i32_0 = arith.constant 0 : i32
    %c0_i32_1 = arith.constant 0 : i32
    return %c0_i32, %arg0, %c0_i32_0 : i32, i32, i32
  }
  func.func @transform_1(%arg0: i32) -> (i32, i32) {
    %c0_i32 = arith.constant 0 : i32
    %c0_i32_0 = arith.constant 0 : i32
    %c0_i32_1 = arith.constant 0 : i32
    return %c0_i32, %c0_i32_0 : i32, i32
  }
  func.func @transform_2(%arg0: i32) -> (i32, i32) {
    %c0_i32 = arith.constant 0 : i32
    %c0_i32_0 = arith.constant 0 : i32
    %c0_i32_1 = arith.constant 0 : i32
    return %c0_i32, %c0_i32_0 : i32, i32
  }
  func.func @transform_3(%arg0: i32) -> (i32, i32) {
    %c0_i32 = arith.constant 0 : i32
    %c0_i32_0 = arith.constant 0 : i32
    return %c0_i32, %arg0 : i32, i32
  }
}

</mosaic_0001>

<sc_bundles>
// kernel: kernel.5.cloned.1.call-start
scs
__scs_entry_jumppad:
0x0: {  	(pc) =	sbr.rel $0x88, $3  }
0x1: {  	(tag) =	ssettag $0x0;
	lr =	simm.s32 $0x1  }
0x2: {  	[smem:$0x3F9A] =	sst lr;
	_ =	strace $0xD0000000  }
0x3: {  	_ = 	snop  }
0x4: {  	_ = 	snop  }
0x5: {  	_ = 	snop  }
0x6: {  	_ = 	snop  }
0x7: {  	_ = 	snop  }
__scs_overlays_trampoline_lowered:
0x8: {  	[smem:$0x3FA9] =	sst s0  }
0x9: {  	[smem:$0x3FAA] =	sst s1  }
0xa: {  	[smem:$0x3FAB] =	sst s2  }
0xb: {  	[smem:$0x3FAC] =	sst s3  }
0xc: {  	[smem:$0x3FAD] =	sst s4  }
0xd: {  	[smem:$0x3FAE] =	sst s5  }
0xe: {  	[smem:$0x3FAF] =	sst s6  }
0xf: {  	[smem:$0x3FB0] =	sst s7  }
0x10: {  	[smem:$0x3FB1] =	sst s8  }
0x11: {  	[smem:$0x3FB2] =	sst s9;
	s0 =	simm.s32 @!p0 $0x0  }
0x12: {  	s1 =	sld [smem:$0x3F98];
	s0 =	simm.s32 @p0 $0x1  }
0x13: {  	[smem:$0x3FB3] =	sst s0;
	s0 =	simm.s32 @!p1 $0x0  }
0x14: {  	s2 =	sld [smem:$0x3F97];
	s0 =	simm.s32 @p1 $0x1  }
0x15: {  	[smem:$0x3FB4] =	sst s0;
	s0 =	simm.s32 @!p2 $0x0  }
0x16: {  	s3 =	sld [smem:$0x3FDB];
	s0 =	simm.s32 @p2 $0x1  }
0x17: {  	s4 =	simm.s32 $0x1BF5;
	[smem:$0x3FB6] =	sst s0  }
0x18: {  	s0 =	sld [smem:$0x3F99];
	_ =	swait.ge [sflag:s4], $0x0  }
0x19: {  	s7 =	sld [smem:$0x3F9A]  }
0x1a: {  	s8 =	sadd.s32 $0xFFFFE003, lr  }
0x1b: {  	s9 =	sadd.s32 $0xFFFFFEF7, lr;
	s5 =	simm.s32 $0xFFFFFFFF;
	p2 =	slt.u32 s8, $0xFFFFF086  }
0x1c: {  	p1 =	slt.u32 s9, $0xF7A;
	s5 =	simm.s32 @!p2 $0x0  }
0x1d: {  	s5 =	simm.s32 @p1 $0x1;
	p0 =	seq.s32 s7, s2  }
0x1e: {  	s7 =	smul.u32 @!p0 $0xF7A, s2;
	p2 =	seq.s32 @!p0 s5, $0x0  }
0x1f: {  	s9 =	smul.u32 $0xF7A, s1;
	s8 =	simm.s32 @!p0 $0x1BF5;
	p2 =	por !p2, p0  }
0x20: {  	[sflag:s8] =	ssyncset.s32 @!p0 $0xFFFFF086;
	s6 =	sadd.s32 @!p0 s3, s7;
	s7 =	simm.s32 @!p0 $0x108  }
0x21: {  	s3 =	sadd.s32 s3, s9;
	s6 =	sadd.s32 @!p0 $0x88, s6;
	s7 =	simm.s32 @p2 $0x1082  }
0x22: {  	[simem:s7], [sflag:s8] =	dma.local @!p0 [hbm:s6], $0xF7A  }
0x23: {  	s9 =	sor.u32 $0xD0000000, s2;
	s6 =	simm.s32 $0x108;
	_ =	swait.ge @!p0 [sflag:s8], $0x0  }
0x24: {  	s3 =	sadd.s32 $0x88, s3;
	s6 =	simm.s32 @!p1 $0x1082;
	[sflag:s4] =	ssyncset.s32 $0xFFFFF086  }
0x25: {  	[simem:s6], [sflag:s4] =	dma.local [hbm:s3], $0xF7A  }
0x26: {  	[smem:$0x3F9A] =	sst s1;
	(tag) =	ssettag s2;
	_ =	strace s9  }
0x27: {  	s1 =	sld [smem:$0x3FAA]  }
0x28: {  	s2 =	sld [smem:$0x3FAB]  }
0x29: {  	s4 =	sld [smem:$0x3FAD]  }
0x2a: {  	p0 =	seq.s32 s5, $0x0;
	s5 =	sld [smem:$0x3FAE]  }
0x2b: {  	s6 =	sld [smem:$0x3FAF]  }
0x2c: {  	s7 =	sld [smem:$0x3FB0]  }
0x2d: {  	s3 =	simm.s32 $0x108;
	s8 =	sld [smem:$0x3FB1]  }
0x2e: {  	s3 =	simm.s32 @!p0 $0x1082;
	s9 =	sld [smem:$0x3FB2]  }
0x2f: {  	lr =	sadd.s32 s0, s3;
	s0 =	sld [smem:$0x3FA9]  }
0x30: {  	s3 =	sld [smem:$0x3FAC]  }
0x31: {  	[smem:$0x3FB5] =	sst s10  }
0x32: {  	s10 =	sld [smem:$0x3FB3];
	_ =	sdelay $0x3  }
0x33: {  	p0 =	seq.s32 s10, $0x1;
	s10 =	sld [smem:$0x3FB5];
	_ =	sdelay $0x3  }
0x34: {  	[smem:$0x3FB5] =	sst s10  }
0x35: {  	s10 =	sld [smem:$0x3FB4];
	_ =	sdelay $0x3  }
0x36: {  	p1 =	seq.s32 s10, $0x1;
	s10 =	sld [smem:$0x3FB5];
	_ =	sdelay $0x3  }
0x37: {  	[smem:$0x3FB5] =	sst s10  }
0x38: {  	s10 =	sld [smem:$0x3FB6]  }
0x39: {  	_ = 	snop;
	(pc) =	sbr.ind lr, $3  }
0x3a: {  	_ = 	snop  }
0x3b: {  	_ = 	snop  }
0x3c: {  	p2 =	seq.s32 s10, $0x1;
	s10 =	sld [smem:$0x3FB5]  }
0x3d: {  	_ =	shalt  }
0x3e: {  	_ =	shalt  }
0x3f: {  	_ =	shalt  }
0x40: {  	_ =	shalt  }
0x41: {  	_ =	shalt  }
0x42: {  	_ =	shalt  }
0x43: {  	_ =	shalt  }
0x44: {  	_ =	shalt  }
0x45: {  	_ =	shalt  }
0x46: {  	_ =	shalt  }
0x47: {  	_ =	shalt  }
0x48: {  	_ =	shalt  }
0x49: {  	_ =	shalt  }
0x4a: {  	_ =	shalt  }
0x4b: {  	_ =	shalt  }
0x4c: {  	_ =	shalt  }
0x4d: {  	_ =	shalt  }
0x4e: {  	_ =	shalt  }
0x4f: {  	_ =	shalt  }
0x50: {  	_ =	shalt  }
0x51: {  	_ =	shalt  }
0x52: {  	_ =	shalt  }
0x53: {  	_ =	shalt  }
0x54: {  	_ =	shalt  }
0x55: {  	_ =	shalt  }
0x56: {  	_ =	shalt  }
0x57: {  	_ =	shalt  }
0x58: {  	_ =	shalt  }
0x59: {  	_ =	shalt  }
0x5a: {  	_ =	shalt  }
0x5b: {  	_ =	shalt  }
0x5c: {  	_ =	shalt  }
0x5d: {  	_ =	shalt  }
0x5e: {  	_ =	shalt  }
0x5f: {  	_ =	shalt  }
0x60: {  	_ =	shalt  }
0x61: {  	_ =	shalt  }
0x62: {  	_ =	shalt  }
0x63: {  	_ =	shalt  }
0x64: {  	_ =	shalt  }
0x65: {  	_ =	shalt  }
0x66: {  	_ =	shalt  }
0x67: {  	_ =	shalt  }
0x68: {  	_ =	shalt  }
0x69: {  	_ =	shalt  }
0x6a: {  	_ =	shalt  }
0x6b: {  	_ =	shalt  }
0x6c: {  	_ =	shalt  }
0x6d: {  	_ =	shalt  }
0x6e: {  	_ =	shalt  }
0x6f: {  	_ =	shalt  }
0x70: {  	_ =	shalt  }
0x71: {  	_ =	shalt  }
0x72: {  	_ =	shalt  }
0x73: {  	_ =	shalt  }
0x74: {  	_ =	shalt  }
0x75: {  	_ =	shalt  }
0x76: {  	_ =	shalt  }
0x77: {  	_ =	shalt  }
0x78: {  	_ =	shalt  }
0x79: {  	_ =	shalt  }
0x7a: {  	_ =	shalt  }
0x7b: {  	_ =	shalt  }
0x7c: {  	_ =	shalt  }
0x7d: {  	_ =	shalt  }
0x7e: {  	_ =	shalt  }
0x7f: {  	_ =	shalt  }
0x80: {  	_ =	shalt  }
0x81: {  	_ =	shalt  }
0x82: {  	_ =	shalt  }
0x83: {  	_ =	shalt  }
0x84: {  	_ =	shalt  }
0x85: {  	_ =	shalt  }
0x86: {  	_ =	shalt  }
0x87: {  	_ =	shalt  }
.Lfunc_end0:
.L_simem_size_0:
called_computation_lowered:
.L_overlay_start_0:
0x88: {  	s2 =	sld [smem:$0x3FD9]  }
0x89: {  	s3 =	sld [smem:$0x3FFE];
	_ =	sdelay $0x1  }
0x8a: {  	s1 =	srdreg.scid  }
0x8b: {  	s0 =	sand.u32 $0x1, s1  }
0x8c: {  	s15 =	sshll.u32 s0, $0xA;
	s2 =	sadd.s32 s3, s2  }
0x8d: {  	s2 =	sadd.s32 s2, s15  }
0x8e: {  	[smem:$0x3FC1] =	sst s2  }
0x8f: {  	_ = 	snop  }
0x90: {  	s2 =	sld [smem:$0x3FD0]  }
0x91: {  	s16 =	sld [smem:$0x3FC8]  }
0x92: {  	s4 =	sld [smem:$0x3FC7]  }
0x93: {  	s6 =	simm.s32 $0xA;
	s7 =	simm.s32 $0x10;
	s5 =	sld [smem:$0x3FC6]  }
0x94: {  	[smem:s7], [sflag:s6] =	dma.local [hbm:s2], $0x1  }
0x95: {  	_ =	swait.eq [sflag:s6], $0x1  }
0x96: {  	[sflag:s6] =	ssyncset.done $0x0  }
0x97: {  	s17 =	sld [smem:$0x10];
	[sflag:s6] =	ssyncadd.s32 $0xFFFFFFFF  }
0x98: {  	s18 =	sld [smem:$0x11];
	(tm) =	ssettm $0x1  }
0x99: {  	s19 =	sld [smem:$0x3FFB];
	_ =	sdelay $0x3  }
0x9a: {  	_ =	strace s19  }
0x9b: {  	s7 =	sld [smem:$0x3FFC];
	_ =	sdelay $0x3  }
0x9c: {  	_ =	strace s7  }
0x9d: {  	s7 =	sld [smem:$0x3FFD];
	_ =	sdelay $0x3  }
0x9e: {  	_ =	strace s7  }
0x9f: {  	_ =	strace $0x8FFFFFFF  }
0xa0: {  	s20 =	sld [smem:$0x3FDB];
	_ =	sdelay $0x1  }
0xa1: {  	s8 =	simm.s32 $_scs_section_size  }
0xa2: {  	s9 =	simm.s32 $_size__tile_overlayer_lowered;
	s10 =	simm.s32 $_tile_overlayer_lowered  }
0xa3: {  	s23 =	simm.s32 $0x1BFF;
	s22 =	sshll.u32 s10, $0x1;
	s7 =	sadd.s32 s8, s20  }
0xa4: {  	s11 =	simm.s32 $0x0;
	s21 =	sshll.u32 s9, $0x1;
	s9 =	sadd.s32 s22, s7  }
0xa5: {  	[timem:s11], [sflag:s23] =	dma.local [hbm:s9], s21  }
0xa6: {  	_ =	swait.ge [sflag:s23], s21  }
0xa7: {  	s8 =	ssub.s32 $0x0, s21;
	[sflag:s23] =	ssyncset.done $0x0  }
0xa8: {  	[sflag:s23] =	ssyncadd.s32 s8;
	_ =	sdelay $0x1  }
0xa9: {  	s24 =	simm.s32 $0x1B8B  }
0xaa: {  	_ =	swait.ge [sflag:s24], $0x1  }
0xab: {  	[sflag:s24] =	ssyncset.done $0x0  }
0xac: {  	s25 =	simm.s32 $0x1B8E;
	[sflag:s24] =	ssyncadd.s32 $0xFFFFFFFF  }
0xad: {  	s26 =	simm.s32 $execute0_lowered;
	[smem:$0x3FD2] =	sst s25  }
0xae: {  	s8 =	sshll.u32 s26, $0x1;
	_ =	strace $0x80000046;
	[dreg:$0x1] =	wrdreg $0xFFFFFFFF  }
0xaf: {  	s28 =	simm.s32 $_size_execute0_lowered;
	s7 =	sadd.s32 s7, s8;
	[dreg:$0x0] =	wrdreg $0x0  }
0xb0: {  	s8 =	sshll.u32 s28, $0x1;
	[dreg:$0x2] =	wrdreg s7  }
0xb1: {  	[dreg:$0x3] =	wrdreg s8  }
0xb2: {  	[dreg:$0x4] =	wrdreg $0xC0  }
0xb3: {  	_ =	task [dreg:s11], $0x5FFFF  }
0xb4: {  	[dreg:$0x1] =	wrdreg $0xFFFFFFFF  }
0xb5: {  	[dreg:$0x0] =	wrdreg $0x60  }
0xb6: {  	[dreg:$0x2] =	wrdreg s16  }
0xb7: {  	[dreg:$0x3] =	wrdreg s4  }
0xb8: {  	[dreg:$0x4] =	wrdreg s5  }
0xb9: {  	[dreg:$0x5] =	wrdreg s18  }
0xba: {  	[dreg:$0x6] =	wrdreg s17  }
0xbb: {  	[dreg:$0x7] =	wrdreg $0x9  }
0xbc: {  	_ =	task.clear_ibuf [dreg:s11], $0x8FFFF;
	_ =	strace $0x90000046  }
0xbd: {  	s29 =	simm.s32 $0x9;
	_ =	strace $0x80000048  }
0xbe: {  	_ =	swait.ge [sflag:s29], $0x1  }
0xbf: {  	[sflag:s29] =	ssyncadd.s32 $0xFFFFFFFF  }
0xc0: {  	_ =	strace $0x90000048  }
0xc1: {  	_ =	sfence  }
0xc2: {  	s30 =	sld [smem:$0x0];
	_ =	sdelay $0x2  }
0xc3: {  	s31 =	sshll.u32 s1, $0xD;
	s1 =	sshrl.u32 s1, $0x2  }
0xc4: {  	s3 =	sand.u32 $0x4000, s31;
	s1 =	sadd.s32 s1, s30  }
0xc5: {  	s0 =	sor.u32 s3, s0;
	s1 =	sshll.u32 s1, $0x11  }
0xc6: {  	s0 =	sor.u32 s1, s0  }
0xc7: {  	s0 =	sadd.s32 $0x8F2B, s0  }
0xc8: {  	[sflag:s0] =	ssyncadd.remote.s32 $0x1  }
0xc9: {  	_ =	sfence.sel $0xFFFF  }
0xca: {  	[dreg:$0x0] =	wrdreg $0xFFFFFFFF;
	(pc) =	sbr.abs _section_cstart, $3  }
0xcb: {  	[dreg:$0x1] =	wrdreg $0xFFFFFFFF  }
0xcc: {  	_ =	task.clear_ibuf [dreg:s11], $0x2FFFF;
	_ =	strace $0x9FFFFFFF  }
0xcd: {  	(tm) =	ssettm $0x7FFFFFFF  }
tec
execute0_lowered:
.L_overlay_start_1:
0x0: {  	(tag) =	ssettag $0x1  }
0x1: {  	s5 =	rddreg [dreg:$0x0]  }
0x2: {  	s1 =	rddreg [dreg:$0x1]  }
0x3: {  	s3 =	rddreg [dreg:$0x2]  }
0x4: {  	s12 =	rddreg [dreg:$0x3]  }
0x5: {  	s13 =	rddreg [dreg:$0x4];
	s4 =	srdreg.scid  }
0x6: {  	s0 =	rddreg [dreg:$0x5];
	s2 =	stileid.u32;
	s14 =	sand.u32 $0x1, s4  }
0x7: {  	s4 =	simm.s32 $0x0;
	s6 =	sshll.u32 s2, $0x4;
	s7 =	sshll.u32 s14, $0x3  }
0x8: {  	[smem:$0x7FF] =	sst s4;
	s15 =	sor.u32 s7, s6  }
0x9: {  	_ =	strace $0x80000047;
	s6 =	sadd.s32 s5, s15;
	s5 =	simm.s32 $0x3  }
0xa: {  	[tilespmem:s4], [sflag:$0x3] =	stream.linear.gather [hbm4b:s6+s4], $0x40, $0x38;
	[tilespmem:$0x180] =	vst v63  }
0xb: {  	_ =	swait.ge [sflag:s5], $0x40  }
0xc: {  	[sflag:s5] =	ssyncset.done $0x0  }
0xd: {  	s8 =	simm.s32 $0x80;
	s7 =	simm.s32 $0x40;
	[sflag:s5] =	ssyncadd.s32 $0xFFFFFFC0  }
0xe: {  	[tilespmem:s8], [sflag:$0x1] =	stream.indirect.gather [hbm4b:s1+s7], $0x1, s4, s7, $0xb8;
	[tilespmem:$0x180] =	vst v63  }
0xf: {  	s9 =	simm.s32 $0x100;
	s10 =	simm.s32 $0x1  }
0x10: {  	[tilespmem:s9], [sflag:$0x2] =	stream.indirect.gather [hbm4b:s3+s7], $0x1, s4, s7, $0xb8;
	[tilespmem:$0x180] =	vst v63  }
0x11: {  	_ =	swait.ge [sflag:s10], $0x40  }
0x12: {  	[sflag:s10] =	ssyncset.done $0x0  }
0x13: {  	s11 =	simm.s32 $0x2;
	s14 =	ssub.s32 $0x2, s14;
	[sflag:s10] =	ssyncadd.s32 $0xFFFFFFC0  }
0x14: {  	s16 =	sshrl.u32 s14, $0x1;
	_ =	swait.ge [sflag:s11], $0x40  }
0x15: {  	s14 =	ssub.s32 s14, s16;
	[sflag:s11] =	ssyncset.done $0x0  }
0x16: {  	s12 =	sadd.s32 s12, s15;
	s14 =	smax.u32 s14, $0x1;
	[sflag:s11] =	ssyncadd.s32 $0xFFFFFFC0  }
0x17: {  	[hbm4b:s12+s4] =	stream.linear.scatter [tilespmem:s8], [sflag:$0x3], $0x40, $0x38;
	[tilespmem:$0x180] =	vst v63  }
0x18: {  	p0 =	sne.s32 s14, $0x1;
	_ =	swait.ge [sflag:s5], $0x40  }
.Ltmp0:
0x19: {  	[sflag:s5] =	ssyncset.done $0x0;
	(pc) =	sbr.rel @!p0 .LBB2_2-.Ltmp0, $4  }
0x1a: {  	s13 =	sadd.s32 s13, s15;
	[sflag:s5] =	ssyncadd.s32 $0xFFFFFFC0  }
0x1b: {  	[hbm4b:s13+s4] =	stream.linear.scatter [tilespmem:s9], [sflag:$0x3], $0x40, $0x38;
	[tilespmem:$0x180] =	vst v63  }
0x1c: {  	_ =	swait.ge [sflag:s5], $0x40  }
0x1d: {  	s14 =	sadd.s32 $0xFFFFFFFF, s14;
	[sflag:s5] =	ssyncset.done $0x0  }
.LBB2_1:
0x1e: {  	p0 =	sne.s32 s14, $0x1;
	s14 =	sadd.s32 $0xFFFFFFFF, s14;
	[sflag:s5] =	ssyncadd.s32 $0xFFFFFFC0  }
0x1f: {  	[tilespmem:s4], [sflag:$0x3] =	stream.linear.gather [hbm4b:s6+s4], $0x40, $0x38;
	[tilespmem:$0x180] =	vst v63  }
0x20: {  	_ =	swait.ge [sflag:s5], $0x40  }
0x21: {  	[sflag:s5] =	ssyncset.done $0x0  }
0x22: {  	[sflag:s5] =	ssyncadd.s32 $0xFFFFFFC0  }
0x23: {  	[tilespmem:s8], [sflag:$0x1] =	stream.indirect.gather [hbm4b:s1+s7], $0x1, s4, s7, $0xb8;
	[tilespmem:$0x180] =	vst v63  }
0x24: {  	_ = 	snop  }
0x25: {  	[tilespmem:s9], [sflag:$0x2] =	stream.indirect.gather [hbm4b:s3+s7], $0x1, s4, s7, $0xb8;
	[tilespmem:$0x180] =	vst v63  }
0x26: {  	_ =	swait.ge [sflag:s10], $0x40  }
0x27: {  	[sflag:s10] =	ssyncset.done $0x0  }
0x28: {  	[sflag:s10] =	ssyncadd.s32 $0xFFFFFFC0  }
0x29: {  	_ =	swait.ge [sflag:s11], $0x40  }
0x2a: {  	[sflag:s11] =	ssyncset.done $0x0  }
0x2b: {  	[sflag:s11] =	ssyncadd.s32 $0xFFFFFFC0  }
0x2c: {  	[hbm4b:s12+s4] =	stream.linear.scatter [tilespmem:s8], [sflag:$0x3], $0x40, $0x38;
	[tilespmem:$0x180] =	vst v63  }
0x2d: {  	_ =	swait.ge [sflag:s5], $0x40  }
.Ltmp1:
0x2e: {  	[sflag:s5] =	ssyncset.done $0x0;
	(pc) =	sbr.rel @p0 .LBB2_1-.Ltmp1, $4  }
0x2f: {  	[sflag:s5] =	ssyncadd.s32 $0xFFFFFFC0  }
0x30: {  	[hbm4b:s13+s4] =	stream.linear.scatter [tilespmem:s9], [sflag:$0x3], $0x40, $0x38;
	[tilespmem:$0x180] =	vst v63  }
0x31: {  	_ =	swait.ge [sflag:s5], $0x40  }
0x32: {  	[sflag:s5] =	ssyncset.done $0x0  }
.LBB2_2:
0x33: {  	[sflag:s5] =	ssyncadd.s32 $0xFFFFFFC0  }
0x34: {  	_ =	sfence.sel $0x180000  }
0x35: {  	[bflag:$0x0] =	sbarrier.arrive $0xFFFF  }
0x36: {  	p0 =	sne.s32 s2, $0x0;
	_ =	strace $0x90000047  }
0x37: {  	s0 =	sadd.s32 @!p0 $0x100000, s0;
	[bflag:$0x2] =	sbarrier.arrive $0xFFFF  }
0x38: {  	[sflag:s0] =	ssyncadd.tile.s32 @!p0 $0x1;
	_ =	shalt  }
.Lfunc_end2:
_tile_overlayer_lowered:
.L_overlay_start_2:
0x39: {  	(tag) =	ssettag $0x2  }
0x3a: {  	s0 =	rddreg [dreg:$0x0];
	s2 =	stileid.u32  }
0x3b: {  	s1 =	rddreg [dreg:$0x1];
	p0 =	sne.s32 s2, $0x0  }
0x3c: {  	s3 =	rddreg [dreg:$0x2];
	[bflag:$0x3] =	sbarrier.arrive $0xFFFF;
	s2 =	simm.s32 @!p0 $0x1C03  }
0x3d: {  	[timem:s3], [sflag:s2] =	dma.local @!p0 [hbm:s0], s1  }
0x3e: {  	s0 =	simm.s32 @!p0 $0x3  }
0x3f: {  	_ =	swait.ge @!p0 [sflag:s0], s1  }
0x40: {  	s1 =	ssub.s32 @!p0 $0x0, s1;
	[sflag:s0] =	ssyncset.done @!p0 $0x0  }
0x41: {  	[sflag:s0] =	ssyncadd.s32 @!p0 s1  }
0x42: {  	[bflag:$0x3] =	sbarrier.arrive $0xFFFF  }
0x43: {  	_ =	shalt  }

</sc_bundles>
